<compile_context>
chip_gen: v7x
topology: tpu7x:2x2x1
jax: 0.10.2.dev20260603
libtpu: 0.0.44.dev20260713+nightly
codegen_flags: <defaults>
</compile_context>

<pallas_src>
import functools

import jax
import jax.numpy as jnp
from jax import lax
from jax.experimental import pallas as pl
from jax.experimental.pallas import tpu as pltpu
from jax.experimental.pallas import tpu_sc as plsc

N = 500000
NSEM = 64
NW = 32
CW = 640
NCH = 499968 // CW
TAIL0 = NCH * CW
TAIL1 = TAIL0 + 128
GRP = CW // 16

_mesh = plsc.VectorSubcoreMesh(core_axis_name="c", subcore_axis_name="s")


@functools.partial(
    pl.kernel,
    out_type=jax.ShapeDtypeStruct((NSEM, N), jnp.float32),
    mesh=_mesh,
    scratch_types=[
        pltpu.VMEM((CW,), jnp.int32),
        pltpu.VMEM((CW,), jnp.int32),
        pltpu.VMEM((CW,), jnp.int32),
        pltpu.VMEM((CW,), jnp.int32),
        pltpu.VMEM((NSEM, CW), jnp.float32),
        pltpu.VMEM((NSEM, CW), jnp.float32),
        pltpu.SemaphoreType.DMA,
        pltpu.SemaphoreType.DMA,
        pltpu.SemaphoreType.DMA,
        pltpu.SemaphoreType.DMA,
    ],
    compiler_params=pltpu.CompilerParams(
        needs_layout_passes=False, use_tc_tiling_on_sc=True
    ),
)
def _sc_onehot(
    sem_hbm, out_hbm,
    lbl_a, lbl_b, snap_a, snap_b, buf_a, buf_b,
    sem_a, sem_b, sem_la, sem_lb,
):
    wid = lax.axis_index("s") * 2 + lax.axis_index("c")
    zeros = jnp.zeros((16,), jnp.float32)
    ones = jnp.full((16,), 1.0, jnp.float32)
    lane = lax.iota(jnp.int32, 16)

    nch = jnp.where(wid < NCH % NW, NCH // NW + 1, NCH // NW)

    pltpu.async_copy(sem_hbm.at[pl.ds(wid * CW, CW)], lbl_a, sem_la)

    def zinit(i, carry):
        row = jnp.broadcast_to(i // GRP, (16,)).astype(jnp.int32)
        col = (i % GRP) * 16 + lane
        plsc.store_scatter(buf_a, [row, col], zeros)
        plsc.store_scatter(buf_b, [row, col], zeros)
        return carry

    lax.fori_loop(0, NSEM * GRP, zinit, 0)

    def process(i, lbl, lbl_nxt, snap, buf, sem, sem_l, sem_l_nxt):
        col0 = (wid + i * NW) * CW
        out_slice = out_hbm.at[:, pl.ds(col0, CW)]

        @pl.when(i >= 2)
        def _():
            pltpu.make_async_copy(buf, out_slice, sem).wait()

            def clr(g, c):
                lv = snap[pl.ds(g * 16, 16)]
                plsc.store_scatter(buf, [lv, g * 16 + lane], zeros)
                return c

            lax.fori_loop(0, GRP, clr, 0)

        pltpu.make_async_copy(sem_hbm.at[pl.ds(col0, CW)], lbl, sem_l).wait()

        @pl.when(i + 1 < nch)
        def _():
            pltpu.async_copy(
                sem_hbm.at[pl.ds(col0 + NW * CW, CW)], lbl_nxt, sem_l_nxt
            )

        def put(g, c):
            lv = lbl[pl.ds(g * 16, 16)]
            snap[pl.ds(g * 16, 16)] = lv
            plsc.store_scatter(buf, [lv, g * 16 + lane], ones)
            return c

        lax.fori_loop(0, GRP, put, 0)
        pltpu.async_copy(buf, out_slice, sem)

    def chunk_body(i, carry):
        @pl.when(i % 2 == 0)
        def _():
            process(i, lbl_a, lbl_b, snap_a, buf_a, sem_a, sem_la, sem_lb)

        @pl.when(i % 2 == 1)
        def _():
            process(i, lbl_b, lbl_a, snap_b, buf_b, sem_b, sem_lb, sem_la)

        return carry

    lax.fori_loop(0, nch, chunk_body, 0)

    pltpu.make_async_copy(buf_a, out_hbm.at[:, pl.ds(wid * CW, CW)], sem_a).wait()
    pltpu.make_async_copy(buf_b, out_hbm.at[:, pl.ds(wid * CW, CW)], sem_b).wait()


def kernel(semantic):
    out_t = _sc_onehot(semantic)
    out = out_t.T
    tail = (
        semantic[TAIL0:, None] == jnp.arange(NSEM, dtype=jnp.int32)[None, :]
    ).astype(jnp.float32)
    return lax.dynamic_update_slice(out, tail, (TAIL0, 0))

# --- scband reference (transcript-rebuilt; emitter-appended) ---
"""Pipeline reference for scband-one-hot-semantic-label-78778290143955 (READ-ONLY COPY).

The authoritative reference and input builder live on the scoring server;
editing this copy changes nothing except your own understanding.
"""

import jax, jax.numpy as jnp
import numpy as np

N = 500000
N_SEMANTIC = 64


def setup_inputs(seed: int = 0) -> dict:
    key = jax.random.key(seed)
    semantic = jax.random.randint(key, (N,), 0, N_SEMANTIC, dtype=jnp.int32)
    return {"semantic": semantic}


def reference(semantic):
    # Faithful translation of one_hot_semantic: expand integer class labels
    # into a one-hot float tensor with n_semantic channels.
    # Implemented as a scatter-overwrite (maps to SparseCore scatter).
    n = semantic.shape[0]
    out = jnp.zeros((n, N_SEMANTIC), dtype=jnp.float32)
    out = out.at[jnp.arange(n), semantic].set(1.0)
    return out

if __name__ == "__main__":
    import jax
    _d = setup_inputs()
    print(jax.jit(kernel)(*tuple(_d.values())))

</pallas_src>

<mosaic_0001>
#map = affine_map<(d0, d1) -> (0)>
#map1 = affine_map<(d0, d1) -> (0, 0)>
module attributes {stable_mosaic.version = 14 : i64} {
  func.func @_sc_onehot(%arg0: i32, %arg1: i32, %arg2: memref<500000xi32, #tpu.memory_space<hbm>>, %arg3: memref<64x500000xf32, #tpu.memory_space<hbm>>, %arg4: memref<640xi32, #tpu.memory_space<vmem>>, %arg5: memref<640xi32, #tpu.memory_space<vmem>>, %arg6: memref<640xi32, #tpu.memory_space<vmem>>, %arg7: memref<640xi32, #tpu.memory_space<vmem>>, %arg8: memref<64x640xf32, #tpu.memory_space<vmem>>, %arg9: memref<64x640xf32, #tpu.memory_space<vmem>>, %arg10: memref<!tpu.dma_semaphore, #tpu.memory_space<semaphore_mem>>, %arg11: memref<!tpu.dma_semaphore, #tpu.memory_space<semaphore_mem>>, %arg12: memref<!tpu.dma_semaphore, #tpu.memory_space<semaphore_mem>>, %arg13: memref<!tpu.dma_semaphore, #tpu.memory_space<semaphore_mem>>) attributes {dimension_semantics = [#tpu.dimension_semantics<core_parallel>, #tpu.dimension_semantics<subcore_parallel>], iteration_bounds = array<i64: 2, 16>, scalar_prefetch = 0 : i64, scratch_operands = 10 : i64, tpu.core_type = #tpu.core_type<sc_vector_subcore>, window_params = [{transform_indices = #map}, {transform_indices = #map1}]} {
    %mul3A = arith.constant 2 : i32
    %mul3A_0 = arith.muli %arg1, %mul3A : i32
    %add3A = arith.addi %mul3A_0, %arg0 : i32
    %broadcast_in_dim3A = arith.constant 0.000000e+00 : f32
    %broadcast_in_dim3A_1 = vector.broadcast %broadcast_in_dim3A : f32 to vector<16xf32>
    %broadcast_in_dim3A_2 = arith.constant 1.000000e+00 : f32
    %broadcast_in_dim3A_3 = vector.broadcast %broadcast_in_dim3A_2 : f32 to vector<16xf32>
    %iota3A = tpu.iota {dimensions = array<i32: 0>} : vector<16xi32>
    %lt3A = arith.constant 13 : i32
    %lt3A_4 = arith.cmpi slt, %add3A, %lt3A : i32
    %jit3A = arith.constant 25 : i32
    %jit3A_5 = arith.constant 24 : i32
    %select_n3A = arith.select %lt3A_4, %jit3A, %jit3A_5 : i32
    %mul3A_6 = arith.constant 640 : i32
    %mul3A_7 = arith.muli %add3A, %mul3A_6 : i32
    %dma_start3A = tpu.memref_slice %arg2[%mul3A_7] : memref<500000xi32, #tpu.memory_space<hbm>> -> memref<640xi32, #tpu.memory_space<hbm>>
    %dma_start3A_8 = tpu.memref_slice %arg2[%mul3A_7] : memref<500000xi32, #tpu.memory_space<hbm>> -> memref<640xi32, #tpu.memory_space<hbm>>
    tpu.enqueue_dma source(%dma_start3A_8 : memref<640xi32, #tpu.memory_space<hbm>>) target(%arg4 : memref<640xi32, #tpu.memory_space<vmem>>) target_semaphore(%arg12 : memref<!tpu.dma_semaphore, #tpu.memory_space<semaphore_mem>>)
    %scan3A = arith.constant 0 : i32
    %scan3A_9 = arith.constant 0 : i32
    %scan3A_10 = arith.constant 2560 : i32
    %scan3A_11 = arith.addi %scan3A_9, %scan3A_10 : i32
    %scan3A_12 = arith.constant 1 : i32
    scf.for %scan3A_34 = %scan3A_9 to %scan3A_11 step %scan3A_12  : i32 {
      %jit3A_35 = arith.constant 40 : i32
      %div3A = arith.divsi %scan3A_34, %jit3A_35 : i32
      %sign3A = arith.constant 0 : i32
      %sign3A_36 = arith.cmpi sgt, %scan3A_34, %sign3A : i32
      %sign3A_37 = arith.extui %sign3A_36 : i1 to i32
      %sign3A_38 = arith.constant 0 : i32
      %sign3A_39 = arith.cmpi slt, %scan3A_34, %sign3A_38 : i32
      %sign3A_40 = arith.extui %sign3A_39 : i1 to i32
      %sign3A_41 = arith.subi %sign3A_37, %sign3A_40 : i32
      %sign3A_42 = arith.constant 0 : i32
      %sign3A_43 = arith.cmpi sgt, %jit3A_35, %sign3A_42 : i32
      %sign3A_44 = arith.extui %sign3A_43 : i1 to i32
      %sign3A_45 = arith.constant 0 : i32
      %sign3A_46 = arith.cmpi slt, %jit3A_35, %sign3A_45 : i32
      %sign3A_47 = arith.extui %sign3A_46 : i1 to i32
      %sign3A_48 = arith.subi %sign3A_44, %sign3A_47 : i32
      %ne3A = arith.cmpi ne, %sign3A_41, %sign3A_48 : i32
      %rem3A = arith.remsi %scan3A_34, %jit3A_35 : i32
      %ne3A_49 = arith.constant 0 : i32
      %ne3A_50 = arith.cmpi ne, %rem3A, %ne3A_49 : i32
      %and3A = arith.andi %ne3A, %ne3A_50 : i1
      %sub3A = arith.constant 1 : i32
      %sub3A_51 = arith.subi %div3A, %sub3A : i32
      %select_n3A_52 = arith.select %and3A, %sub3A_51, %div3A : i32
      %broadcast_in_dim3A_53 = vector.broadcast %select_n3A_52 : i32 to vector<16xi32>
      %jit3A_54 = arith.constant 40 : i32
      %eq3A = arith.constant 0 : i32
      %eq3A_55 = arith.cmpi eq, %jit3A_54, %eq3A : i32
      %jit3A_56 = arith.constant 1 : i32
      %select_n3A_57 = arith.select %eq3A_55, %jit3A_56, %jit3A_54 : i32
      %rem3A_58 = arith.remsi %scan3A_34, %select_n3A_57 : i32
      %ne3A_59 = arith.constant 0 : i32
      %ne3A_60 = arith.cmpi ne, %rem3A_58, %ne3A_59 : i32
      %lt3A_61 = arith.constant 0 : i32
      %lt3A_62 = arith.cmpi slt, %rem3A_58, %lt3A_61 : i32
      %lt3A_63 = arith.constant 0 : i32
      %lt3A_64 = arith.cmpi slt, %select_n3A_57, %lt3A_63 : i32
      %ne3A_65 = arith.xori %lt3A_62, %lt3A_64 : i1
      %and3A_66 = arith.andi %ne3A_65, %ne3A_60 : i1
      %add3A_67 = arith.addi %rem3A_58, %select_n3A_57 : i32
      %select_n3A_68 = arith.select %and3A_66, %add3A_67, %rem3A_58 : i32
      %mul3A_69 = arith.constant 16 : i32
      %mul3A_70 = arith.muli %select_n3A_68, %mul3A_69 : i32
      %add3A_71 = vector.broadcast %mul3A_70 : i32 to vector<16xi32>
      %add3A_72 = arith.addi %add3A_71, %iota3A : vector<16xi32>
      tpu.vector_store_idx %arg8[%broadcast_in_dim3A_53, %add3A_72], %broadcast_in_dim3A_1 : memref<64x640xf32, #tpu.memory_space<vmem>>[vector<16xi32>, vector<16xi32>], vector<16xf32>,
      tpu.vector_store_idx %arg9[%broadcast_in_dim3A_53, %add3A_72], %broadcast_in_dim3A_1 : memref<64x640xf32, #tpu.memory_space<vmem>>[vector<16xi32>, vector<16xi32>], vector<16xf32>,
    }
    %scan3A_13 = arith.constant 2560 : i32
    %while3A = arith.constant 0 : i32
    %while3A_14 = arith.constant 0 : i32
    %while3A_15 = arith.subi %select_n3A, %while3A_14 : i32
    %while3A_16 = arith.addi %while3A_14, %while3A_15 : i32
    %while3A_17 = arith.constant 1 : i32
    %while3A_18 = arith.divsi %while3A_15, %while3A_17 : i32
    %while3A_19 = arith.muli %while3A_18, %while3A_17 : i32
    %while3A_20 = arith.addi %while3A_14, %while3A_19 : i32
    %while3A_21 = arith.constant 1 : i32
    scf.for %while3A_34 = %while3A_14 to %while3A_20 step %while3A_21  : i32 {
      %jit3A_35 = arith.constant 2 : i32
      %eq3A = arith.constant 0 : i32
      %eq3A_36 = arith.cmpi eq, %jit3A_35, %eq3A : i32
      %jit3A_37 = arith.constant 1 : i32
      %select_n3A_38 = arith.select %eq3A_36, %jit3A_37, %jit3A_35 : i32
      %rem3A = arith.remsi %while3A_34, %select_n3A_38 : i32
      %ne3A = arith.constant 0 : i32
      %ne3A_39 = arith.cmpi ne, %rem3A, %ne3A : i32
      %lt3A_40 = arith.constant 0 : i32
      %lt3A_41 = arith.cmpi slt, %rem3A, %lt3A_40 : i32
      %lt3A_42 = arith.constant 0 : i32
      %lt3A_43 = arith.cmpi slt, %select_n3A_38, %lt3A_42 : i32
      %ne3A_44 = arith.xori %lt3A_41, %lt3A_43 : i1
      %and3A = arith.andi %ne3A_44, %ne3A_39 : i1
      %add3A_45 = arith.addi %rem3A, %select_n3A_38 : i32
      %select_n3A_46 = arith.select %and3A, %add3A_45, %rem3A : i32
      %eq3A_47 = arith.constant 0 : i32
      %eq3A_48 = arith.cmpi eq, %select_n3A_46, %eq3A_47 : i32
      %convert_element_type3A = arith.extui %eq3A_48 : i1 to i32
      %cond3A = arith.constant 0 : i32
      %cond3A_49 = arith.cmpi ne, %convert_element_type3A, %cond3A : i32
      scf.if %cond3A_49 {
        %mul3A_71 = arith.constant 32 : i32
        %mul3A_72 = arith.muli %while3A_34, %mul3A_71 : i32
        %add3A_73 = arith.addi %add3A, %mul3A_72 : i32
        %mul3A_74 = arith.constant 640 : i32
        %mul3A_75 = arith.muli %add3A_73, %mul3A_74 : i32
        %ge3A = arith.constant 2 : i32
        %ge3A_76 = arith.cmpi sge, %while3A_34, %ge3A : i32
        %convert_element_type3A_77 = arith.extui %ge3A_76 : i1 to i32
        %cond3A_78 = arith.constant 0 : i32
        %cond3A_79 = arith.cmpi ne, %convert_element_type3A_77, %cond3A_78 : i32
        scf.if %cond3A_79 {
          %dma_wait3A_98 = arith.constant 0 : i32
          %dma_wait3A_99 = tpu.memref_slice %arg3[%dma_wait3A_98, %mul3A_75] : memref<64x500000xf32, #tpu.memory_space<hbm>> -> memref<64x640xf32, #tpu.memory_space<hbm>>
          %dma_wait3A_100 = arith.constant 0 : i32
          %dma_wait3A_101 = tpu.memref_slice %arg3[%dma_wait3A_100, %mul3A_75] : memref<64x500000xf32, #tpu.memory_space<hbm>> -> memref<64x640xf32, #tpu.memory_space<hbm>>
          tpu.wait_dma2 semaphore(%arg10 : memref<!tpu.dma_semaphore, #tpu.memory_space<semaphore_mem>>) src(%arg8 : memref<64x640xf32, #tpu.memory_space<vmem>>) dst(%dma_wait3A_101 : memref<64x640xf32, #tpu.memory_space<hbm>>)
          %scan3A_102 = arith.constant 0 : i32
          %scan3A_103 = arith.constant 0 : i32
          %scan3A_104 = arith.constant 40 : i32
          %scan3A_105 = arith.addi %scan3A_103, %scan3A_104 : i32
          %scan3A_106 = arith.constant 1 : i32
          scf.for %scan3A_108 = %scan3A_103 to %scan3A_105 step %scan3A_106  : i32 {
            %mul3A_109 = arith.constant 16 : i32
            %mul3A_110 = arith.muli %scan3A_108, %mul3A_109 : i32
            %get3A = arith.index_cast %mul3A_110 : i32 to index
            %get3A_111 = tpu.vector_load %arg6[%get3A] {strides = array<i32>} : memref<640xi32, #tpu.memory_space<vmem>>, vector<16xi32>,
            %mul3A_112 = arith.constant 16 : i32
            %mul3A_113 = arith.muli %scan3A_108, %mul3A_112 : i32
            %add3A_114 = vector.broadcast %mul3A_113 : i32 to vector<16xi32>
            %add3A_115 = arith.addi %add3A_114, %iota3A : vector<16xi32>
            tpu.vector_store_idx %arg8[%get3A_111, %add3A_115], %broadcast_in_dim3A_1 : memref<64x640xf32, #tpu.memory_space<vmem>>[vector<16xi32>, vector<16xi32>], vector<16xf32>,
          }
          %scan3A_107 = arith.constant 40 : i32
        } else {
        }
        %dma_wait3A_80 = tpu.memref_slice %arg2[%mul3A_75] : memref<500000xi32, #tpu.memory_space<hbm>> -> memref<640xi32, #tpu.memory_space<hbm>>
        %dma_wait3A_81 = tpu.memref_slice %arg2[%mul3A_75] : memref<500000xi32, #tpu.memory_space<hbm>> -> memref<640xi32, #tpu.memory_space<hbm>>
        tpu.wait_dma2 semaphore(%arg12 : memref<!tpu.dma_semaphore, #tpu.memory_space<semaphore_mem>>) src(%dma_wait3A_81 : memref<640xi32, #tpu.memory_space<hbm>>) dst(%arg4 : memref<640xi32, #tpu.memory_space<vmem>>)
        %add3A_82 = arith.constant 1 : i32
        %add3A_83 = arith.addi %while3A_34, %add3A_82 : i32
        %lt3A_84 = arith.cmpi slt, %add3A_83, %select_n3A : i32
        %convert_element_type3A_85 = arith.extui %lt3A_84 : i1 to i32
        %cond3A_86 = arith.constant 0 : i32
        %cond3A_87 = arith.cmpi ne, %convert_element_type3A_85, %cond3A_86 : i32
        scf.if %cond3A_87 {
          %add3A_98 = arith.constant 20480 : i32
          %add3A_99 = arith.addi %mul3A_75, %add3A_98 : i32
          %dma_start3A_100 = tpu.memref_slice %arg2[%add3A_99] : memref<500000xi32, #tpu.memory_space<hbm>> -> memref<640xi32, #tpu.memory_space<hbm>>
          %dma_start3A_101 = tpu.memref_slice %arg2[%add3A_99] : memref<500000xi32, #tpu.memory_space<hbm>> -> memref<640xi32, #tpu.memory_space<hbm>>
          tpu.enqueue_dma source(%dma_start3A_101 : memref<640xi32, #tpu.memory_space<hbm>>) target(%arg5 : memref<640xi32, #tpu.memory_space<vmem>>) target_semaphore(%arg13 : memref<!tpu.dma_semaphore, #tpu.memory_space<semaphore_mem>>)
        } else {
        }
        %scan3A_88 = arith.constant 0 : i32
        %scan3A_89 = arith.constant 0 : i32
        %scan3A_90 = arith.constant 40 : i32
        %scan3A_91 = arith.addi %scan3A_89, %scan3A_90 : i32
        %scan3A_92 = arith.constant 1 : i32
        scf.for %scan3A_98 = %scan3A_89 to %scan3A_91 step %scan3A_92  : i32 {
          %mul3A_99 = arith.constant 16 : i32
          %mul3A_100 = arith.muli %scan3A_98, %mul3A_99 : i32
          %get3A = arith.index_cast %mul3A_100 : i32 to index
          %get3A_101 = tpu.vector_load %arg4[%get3A] {strides = array<i32>} : memref<640xi32, #tpu.memory_space<vmem>>, vector<16xi32>,
          %mul3A_102 = arith.constant 16 : i32
          %mul3A_103 = arith.muli %scan3A_98, %mul3A_102 : i32
          %swap3A = arith.index_cast %mul3A_103 : i32 to index
          %swap3A_104 = tpu.vector_load %arg6[%swap3A] {strides = array<i32>} : memref<640xi32, #tpu.memory_space<vmem>>, vector<16xi32>,
          tpu.vector_store %arg6[%swap3A], %get3A_101 {strides = array<i32>} : memref<640xi32, #tpu.memory_space<vmem>>, vector<16xi32>,
          %mul3A_105 = arith.constant 16 : i32
          %mul3A_106 = arith.muli %scan3A_98, %mul3A_105 : i32
          %add3A_107 = vector.broadcast %mul3A_106 : i32 to vector<16xi32>
          %add3A_108 = arith.addi %add3A_107, %iota3A : vector<16xi32>
          tpu.vector_store_idx %arg8[%get3A_101, %add3A_108], %broadcast_in_dim3A_3 : memref<64x640xf32, #tpu.memory_space<vmem>>[vector<16xi32>, vector<16xi32>], vector<16xf32>,
        }
        %scan3A_93 = arith.constant 40 : i32
        %dma_start3A_94 = arith.constant 0 : i32
        %dma_start3A_95 = tpu.memref_slice %arg3[%dma_start3A_94, %mul3A_75] : memref<64x500000xf32, #tpu.memory_space<hbm>> -> memref<64x640xf32, #tpu.memory_space<hbm>>
        %dma_start3A_96 = arith.constant 0 : i32
        %dma_start3A_97 = tpu.memref_slice %arg3[%dma_start3A_96, %mul3A_75] : memref<64x500000xf32, #tpu.memory_space<hbm>> -> memref<64x640xf32, #tpu.memory_space<hbm>>
        tpu.enqueue_dma source(%arg8 : memref<64x640xf32, #tpu.memory_space<vmem>>) target(%dma_start3A_97 : memref<64x640xf32, #tpu.memory_space<hbm>>) target_semaphore(%arg10 : memref<!tpu.dma_semaphore, #tpu.memory_space<semaphore_mem>>)
      } else {
      }
      %jit3A_50 = arith.constant 2 : i32
      %eq3A_51 = arith.constant 0 : i32
      %eq3A_52 = arith.cmpi eq, %jit3A_50, %eq3A_51 : i32
      %jit3A_53 = arith.constant 1 : i32
      %select_n3A_54 = arith.select %eq3A_52, %jit3A_53, %jit3A_50 : i32
      %rem3A_55 = arith.remsi %while3A_34, %select_n3A_54 : i32
      %ne3A_56 = arith.constant 0 : i32
      %ne3A_57 = arith.cmpi ne, %rem3A_55, %ne3A_56 : i32
      %lt3A_58 = arith.constant 0 : i32
      %lt3A_59 = arith.cmpi slt, %rem3A_55, %lt3A_58 : i32
      %lt3A_60 = arith.constant 0 : i32
      %lt3A_61 = arith.cmpi slt, %select_n3A_54, %lt3A_60 : i32
      %ne3A_62 = arith.xori %lt3A_59, %lt3A_61 : i1
      %and3A_63 = arith.andi %ne3A_62, %ne3A_57 : i1
      %add3A_64 = arith.addi %rem3A_55, %select_n3A_54 : i32
      %select_n3A_65 = arith.select %and3A_63, %add3A_64, %rem3A_55 : i32
      %eq3A_66 = arith.constant 1 : i32
      %eq3A_67 = arith.cmpi eq, %select_n3A_65, %eq3A_66 : i32
      %convert_element_type3A_68 = arith.extui %eq3A_67 : i1 to i32
      %cond3A_69 = arith.constant 0 : i32
      %cond3A_70 = arith.cmpi ne, %convert_element_type3A_68, %cond3A_69 : i32
      scf.if %cond3A_70 {
        %mul3A_71 = arith.constant 32 : i32
        %mul3A_72 = arith.muli %while3A_34, %mul3A_71 : i32
        %add3A_73 = arith.addi %add3A, %mul3A_72 : i32
        %mul3A_74 = arith.constant 640 : i32
        %mul3A_75 = arith.muli %add3A_73, %mul3A_74 : i32
        %ge3A = arith.constant 2 : i32
        %ge3A_76 = arith.cmpi sge, %while3A_34, %ge3A : i32
        %convert_element_type3A_77 = arith.extui %ge3A_76 : i1 to i32
        %cond3A_78 = arith.constant 0 : i32
        %cond3A_79 = arith.cmpi ne, %convert_element_type3A_77, %cond3A_78 : i32
        scf.if %cond3A_79 {
          %dma_wait3A_98 = arith.constant 0 : i32
          %dma_wait3A_99 = tpu.memref_slice %arg3[%dma_wait3A_98, %mul3A_75] : memref<64x500000xf32, #tpu.memory_space<hbm>> -> memref<64x640xf32, #tpu.memory_space<hbm>>
          %dma_wait3A_100 = arith.constant 0 : i32
          %dma_wait3A_101 = tpu.memref_slice %arg3[%dma_wait3A_100, %mul3A_75] : memref<64x500000xf32, #tpu.memory_space<hbm>> -> memref<64x640xf32, #tpu.memory_space<hbm>>
          tpu.wait_dma2 semaphore(%arg11 : memref<!tpu.dma_semaphore, #tpu.memory_space<semaphore_mem>>) src(%arg9 : memref<64x640xf32, #tpu.memory_space<vmem>>) dst(%dma_wait3A_101 : memref<64x640xf32, #tpu.memory_space<hbm>>)
          %scan3A_102 = arith.constant 0 : i32
          %scan3A_103 = arith.constant 0 : i32
          %scan3A_104 = arith.constant 40 : i32
          %scan3A_105 = arith.addi %scan3A_103, %scan3A_104 : i32
          %scan3A_106 = arith.constant 1 : i32
          scf.for %scan3A_108 = %scan3A_103 to %scan3A_105 step %scan3A_106  : i32 {
            %mul3A_109 = arith.constant 16 : i32
            %mul3A_110 = arith.muli %scan3A_108, %mul3A_109 : i32
            %get3A = arith.index_cast %mul3A_110 : i32 to index
            %get3A_111 = tpu.vector_load %arg7[%get3A] {strides = array<i32>} : memref<640xi32, #tpu.memory_space<vmem>>, vector<16xi32>,
            %mul3A_112 = arith.constant 16 : i32
            %mul3A_113 = arith.muli %scan3A_108, %mul3A_112 : i32
            %add3A_114 = vector.broadcast %mul3A_113 : i32 to vector<16xi32>
            %add3A_115 = arith.addi %add3A_114, %iota3A : vector<16xi32>
            tpu.vector_store_idx %arg9[%get3A_111, %add3A_115], %broadcast_in_dim3A_1 : memref<64x640xf32, #tpu.memory_space<vmem>>[vector<16xi32>, vector<16xi32>], vector<16xf32>,
          }
          %scan3A_107 = arith.constant 40 : i32
        } else {
        }
        %dma_wait3A_80 = tpu.memref_slice %arg2[%mul3A_75] : memref<500000xi32, #tpu.memory_space<hbm>> -> memref<640xi32, #tpu.memory_space<hbm>>
        %dma_wait3A_81 = tpu.memref_slice %arg2[%mul3A_75] : memref<500000xi32, #tpu.memory_space<hbm>> -> memref<640xi32, #tpu.memory_space<hbm>>
        tpu.wait_dma2 semaphore(%arg13 : memref<!tpu.dma_semaphore, #tpu.memory_space<semaphore_mem>>) src(%dma_wait3A_81 : memref<640xi32, #tpu.memory_space<hbm>>) dst(%arg5 : memref<640xi32, #tpu.memory_space<vmem>>)
        %add3A_82 = arith.constant 1 : i32
        %add3A_83 = arith.addi %while3A_34, %add3A_82 : i32
        %lt3A_84 = arith.cmpi slt, %add3A_83, %select_n3A : i32
        %convert_element_type3A_85 = arith.extui %lt3A_84 : i1 to i32
        %cond3A_86 = arith.constant 0 : i32
        %cond3A_87 = arith.cmpi ne, %convert_element_type3A_85, %cond3A_86 : i32
        scf.if %cond3A_87 {
          %add3A_98 = arith.constant 20480 : i32
          %add3A_99 = arith.addi %mul3A_75, %add3A_98 : i32
          %dma_start3A_100 = tpu.memref_slice %arg2[%add3A_99] : memref<500000xi32, #tpu.memory_space<hbm>> -> memref<640xi32, #tpu.memory_space<hbm>>
          %dma_start3A_101 = tpu.memref_slice %arg2[%add3A_99] : memref<500000xi32, #tpu.memory_space<hbm>> -> memref<640xi32, #tpu.memory_space<hbm>>
          tpu.enqueue_dma source(%dma_start3A_101 : memref<640xi32, #tpu.memory_space<hbm>>) target(%arg4 : memref<640xi32, #tpu.memory_space<vmem>>) target_semaphore(%arg12 : memref<!tpu.dma_semaphore, #tpu.memory_space<semaphore_mem>>)
        } else {
        }
        %scan3A_88 = arith.constant 0 : i32
        %scan3A_89 = arith.constant 0 : i32
        %scan3A_90 = arith.constant 40 : i32
        %scan3A_91 = arith.addi %scan3A_89, %scan3A_90 : i32
        %scan3A_92 = arith.constant 1 : i32
        scf.for %scan3A_98 = %scan3A_89 to %scan3A_91 step %scan3A_92  : i32 {
          %mul3A_99 = arith.constant 16 : i32
          %mul3A_100 = arith.muli %scan3A_98, %mul3A_99 : i32
          %get3A = arith.index_cast %mul3A_100 : i32 to index
          %get3A_101 = tpu.vector_load %arg5[%get3A] {strides = array<i32>} : memref<640xi32, #tpu.memory_space<vmem>>, vector<16xi32>,
          %mul3A_102 = arith.constant 16 : i32
          %mul3A_103 = arith.muli %scan3A_98, %mul3A_102 : i32
          %swap3A = arith.index_cast %mul3A_103 : i32 to index
          %swap3A_104 = tpu.vector_load %arg7[%swap3A] {strides = array<i32>} : memref<640xi32, #tpu.memory_space<vmem>>, vector<16xi32>,
          tpu.vector_store %arg7[%swap3A], %get3A_101 {strides = array<i32>} : memref<640xi32, #tpu.memory_space<vmem>>, vector<16xi32>,
          %mul3A_105 = arith.constant 16 : i32
          %mul3A_106 = arith.muli %scan3A_98, %mul3A_105 : i32
          %add3A_107 = vector.broadcast %mul3A_106 : i32 to vector<16xi32>
          %add3A_108 = arith.addi %add3A_107, %iota3A : vector<16xi32>
          tpu.vector_store_idx %arg9[%get3A_101, %add3A_108], %broadcast_in_dim3A_3 : memref<64x640xf32, #tpu.memory_space<vmem>>[vector<16xi32>, vector<16xi32>], vector<16xf32>,
        }
        %scan3A_93 = arith.constant 40 : i32
        %dma_start3A_94 = arith.constant 0 : i32
        %dma_start3A_95 = tpu.memref_slice %arg3[%dma_start3A_94, %mul3A_75] : memref<64x500000xf32, #tpu.memory_space<hbm>> -> memref<64x640xf32, #tpu.memory_space<hbm>>
        %dma_start3A_96 = arith.constant 0 : i32
        %dma_start3A_97 = tpu.memref_slice %arg3[%dma_start3A_96, %mul3A_75] : memref<64x500000xf32, #tpu.memory_space<hbm>> -> memref<64x640xf32, #tpu.memory_space<hbm>>
        tpu.enqueue_dma source(%arg9 : memref<64x640xf32, #tpu.memory_space<vmem>>) target(%dma_start3A_97 : memref<64x640xf32, #tpu.memory_space<hbm>>) target_semaphore(%arg11 : memref<!tpu.dma_semaphore, #tpu.memory_space<semaphore_mem>>)
      } else {
      }
    }
    %while3A_22 = arith.constant 1 : i32
    scf.for %while3A_34 = %while3A_20 to %while3A_16 step %while3A_22  : i32 {
      %jit3A_35 = arith.constant 2 : i32
      %eq3A = arith.constant 0 : i32
      %eq3A_36 = arith.cmpi eq, %jit3A_35, %eq3A : i32
      %jit3A_37 = arith.constant 1 : i32
      %select_n3A_38 = arith.select %eq3A_36, %jit3A_37, %jit3A_35 : i32
      %rem3A = arith.remsi %while3A_34, %select_n3A_38 : i32
      %ne3A = arith.constant 0 : i32
      %ne3A_39 = arith.cmpi ne, %rem3A, %ne3A : i32
      %lt3A_40 = arith.constant 0 : i32
      %lt3A_41 = arith.cmpi slt, %rem3A, %lt3A_40 : i32
      %lt3A_42 = arith.constant 0 : i32
      %lt3A_43 = arith.cmpi slt, %select_n3A_38, %lt3A_42 : i32
      %ne3A_44 = arith.xori %lt3A_41, %lt3A_43 : i1
      %and3A = arith.andi %ne3A_44, %ne3A_39 : i1
      %add3A_45 = arith.addi %rem3A, %select_n3A_38 : i32
      %select_n3A_46 = arith.select %and3A, %add3A_45, %rem3A : i32
      %eq3A_47 = arith.constant 0 : i32
      %eq3A_48 = arith.cmpi eq, %select_n3A_46, %eq3A_47 : i32
      %convert_element_type3A = arith.extui %eq3A_48 : i1 to i32
      %cond3A = arith.constant 0 : i32
      %cond3A_49 = arith.cmpi ne, %convert_element_type3A, %cond3A : i32
      scf.if %cond3A_49 {
        %mul3A_71 = arith.constant 32 : i32
        %mul3A_72 = arith.muli %while3A_34, %mul3A_71 : i32
        %add3A_73 = arith.addi %add3A, %mul3A_72 : i32
        %mul3A_74 = arith.constant 640 : i32
        %mul3A_75 = arith.muli %add3A_73, %mul3A_74 : i32
        %ge3A = arith.constant 2 : i32
        %ge3A_76 = arith.cmpi sge, %while3A_34, %ge3A : i32
        %convert_element_type3A_77 = arith.extui %ge3A_76 : i1 to i32
        %cond3A_78 = arith.constant 0 : i32
        %cond3A_79 = arith.cmpi ne, %convert_element_type3A_77, %cond3A_78 : i32
        scf.if %cond3A_79 {
          %dma_wait3A_98 = arith.constant 0 : i32
          %dma_wait3A_99 = tpu.memref_slice %arg3[%dma_wait3A_98, %mul3A_75] : memref<64x500000xf32, #tpu.memory_space<hbm>> -> memref<64x640xf32, #tpu.memory_space<hbm>>
          %dma_wait3A_100 = arith.constant 0 : i32
          %dma_wait3A_101 = tpu.memref_slice %arg3[%dma_wait3A_100, %mul3A_75] : memref<64x500000xf32, #tpu.memory_space<hbm>> -> memref<64x640xf32, #tpu.memory_space<hbm>>
          tpu.wait_dma2 semaphore(%arg10 : memref<!tpu.dma_semaphore, #tpu.memory_space<semaphore_mem>>) src(%arg8 : memref<64x640xf32, #tpu.memory_space<vmem>>) dst(%dma_wait3A_101 : memref<64x640xf32, #tpu.memory_space<hbm>>)
          %scan3A_102 = arith.constant 0 : i32
          %scan3A_103 = arith.constant 0 : i32
          %scan3A_104 = arith.constant 40 : i32
          %scan3A_105 = arith.addi %scan3A_103, %scan3A_104 : i32
          %scan3A_106 = arith.constant 1 : i32
          scf.for %scan3A_108 = %scan3A_103 to %scan3A_105 step %scan3A_106  : i32 {
            %mul3A_109 = arith.constant 16 : i32
            %mul3A_110 = arith.muli %scan3A_108, %mul3A_109 : i32
            %get3A = arith.index_cast %mul3A_110 : i32 to index
            %get3A_111 = tpu.vector_load %arg6[%get3A] {strides = array<i32>} : memref<640xi32, #tpu.memory_space<vmem>>, vector<16xi32>,
            %mul3A_112 = arith.constant 16 : i32
            %mul3A_113 = arith.muli %scan3A_108, %mul3A_112 : i32
            %add3A_114 = vector.broadcast %mul3A_113 : i32 to vector<16xi32>
            %add3A_115 = arith.addi %add3A_114, %iota3A : vector<16xi32>
            tpu.vector_store_idx %arg8[%get3A_111, %add3A_115], %broadcast_in_dim3A_1 : memref<64x640xf32, #tpu.memory_space<vmem>>[vector<16xi32>, vector<16xi32>], vector<16xf32>,
          }
          %scan3A_107 = arith.constant 40 : i32
        } else {
        }
        %dma_wait3A_80 = tpu.memref_slice %arg2[%mul3A_75] : memref<500000xi32, #tpu.memory_space<hbm>> -> memref<640xi32, #tpu.memory_space<hbm>>
        %dma_wait3A_81 = tpu.memref_slice %arg2[%mul3A_75] : memref<500000xi32, #tpu.memory_space<hbm>> -> memref<640xi32, #tpu.memory_space<hbm>>
        tpu.wait_dma2 semaphore(%arg12 : memref<!tpu.dma_semaphore, #tpu.memory_space<semaphore_mem>>) src(%dma_wait3A_81 : memref<640xi32, #tpu.memory_space<hbm>>) dst(%arg4 : memref<640xi32, #tpu.memory_space<vmem>>)
        %add3A_82 = arith.constant 1 : i32
        %add3A_83 = arith.addi %while3A_34, %add3A_82 : i32
        %lt3A_84 = arith.cmpi slt, %add3A_83, %select_n3A : i32
        %convert_element_type3A_85 = arith.extui %lt3A_84 : i1 to i32
        %cond3A_86 = arith.constant 0 : i32
        %cond3A_87 = arith.cmpi ne, %convert_element_type3A_85, %cond3A_86 : i32
        scf.if %cond3A_87 {
          %add3A_98 = arith.constant 20480 : i32
          %add3A_99 = arith.addi %mul3A_75, %add3A_98 : i32
          %dma_start3A_100 = tpu.memref_slice %arg2[%add3A_99] : memref<500000xi32, #tpu.memory_space<hbm>> -> memref<640xi32, #tpu.memory_space<hbm>>
          %dma_start3A_101 = tpu.memref_slice %arg2[%add3A_99] : memref<500000xi32, #tpu.memory_space<hbm>> -> memref<640xi32, #tpu.memory_space<hbm>>
          tpu.enqueue_dma source(%dma_start3A_101 : memref<640xi32, #tpu.memory_space<hbm>>) target(%arg5 : memref<640xi32, #tpu.memory_space<vmem>>) target_semaphore(%arg13 : memref<!tpu.dma_semaphore, #tpu.memory_space<semaphore_mem>>)
        } else {
        }
        %scan3A_88 = arith.constant 0 : i32
        %scan3A_89 = arith.constant 0 : i32
        %scan3A_90 = arith.constant 40 : i32
        %scan3A_91 = arith.addi %scan3A_89, %scan3A_90 : i32
        %scan3A_92 = arith.constant 1 : i32
        scf.for %scan3A_98 = %scan3A_89 to %scan3A_91 step %scan3A_92  : i32 {
          %mul3A_99 = arith.constant 16 : i32
          %mul3A_100 = arith.muli %scan3A_98, %mul3A_99 : i32
          %get3A = arith.index_cast %mul3A_100 : i32 to index
          %get3A_101 = tpu.vector_load %arg4[%get3A] {strides = array<i32>} : memref<640xi32, #tpu.memory_space<vmem>>, vector<16xi32>,
          %mul3A_102 = arith.constant 16 : i32
          %mul3A_103 = arith.muli %scan3A_98, %mul3A_102 : i32
          %swap3A = arith.index_cast %mul3A_103 : i32 to index
          %swap3A_104 = tpu.vector_load %arg6[%swap3A] {strides = array<i32>} : memref<640xi32, #tpu.memory_space<vmem>>, vector<16xi32>,
          tpu.vector_store %arg6[%swap3A], %get3A_101 {strides = array<i32>} : memref<640xi32, #tpu.memory_space<vmem>>, vector<16xi32>,
          %mul3A_105 = arith.constant 16 : i32
          %mul3A_106 = arith.muli %scan3A_98, %mul3A_105 : i32
          %add3A_107 = vector.broadcast %mul3A_106 : i32 to vector<16xi32>
          %add3A_108 = arith.addi %add3A_107, %iota3A : vector<16xi32>
          tpu.vector_store_idx %arg8[%get3A_101, %add3A_108], %broadcast_in_dim3A_3 : memref<64x640xf32, #tpu.memory_space<vmem>>[vector<16xi32>, vector<16xi32>], vector<16xf32>,
        }
        %scan3A_93 = arith.constant 40 : i32
        %dma_start3A_94 = arith.constant 0 : i32
        %dma_start3A_95 = tpu.memref_slice %arg3[%dma_start3A_94, %mul3A_75] : memref<64x500000xf32, #tpu.memory_space<hbm>> -> memref<64x640xf32, #tpu.memory_space<hbm>>
        %dma_start3A_96 = arith.constant 0 : i32
        %dma_start3A_97 = tpu.memref_slice %arg3[%dma_start3A_96, %mul3A_75] : memref<64x500000xf32, #tpu.memory_space<hbm>> -> memref<64x640xf32, #tpu.memory_space<hbm>>
        tpu.enqueue_dma source(%arg8 : memref<64x640xf32, #tpu.memory_space<vmem>>) target(%dma_start3A_97 : memref<64x640xf32, #tpu.memory_space<hbm>>) target_semaphore(%arg10 : memref<!tpu.dma_semaphore, #tpu.memory_space<semaphore_mem>>)
      } else {
      }
      %jit3A_50 = arith.constant 2 : i32
      %eq3A_51 = arith.constant 0 : i32
      %eq3A_52 = arith.cmpi eq, %jit3A_50, %eq3A_51 : i32
      %jit3A_53 = arith.constant 1 : i32
      %select_n3A_54 = arith.select %eq3A_52, %jit3A_53, %jit3A_50 : i32
      %rem3A_55 = arith.remsi %while3A_34, %select_n3A_54 : i32
      %ne3A_56 = arith.constant 0 : i32
      %ne3A_57 = arith.cmpi ne, %rem3A_55, %ne3A_56 : i32
      %lt3A_58 = arith.constant 0 : i32
      %lt3A_59 = arith.cmpi slt, %rem3A_55, %lt3A_58 : i32
      %lt3A_60 = arith.constant 0 : i32
      %lt3A_61 = arith.cmpi slt, %select_n3A_54, %lt3A_60 : i32
      %ne3A_62 = arith.xori %lt3A_59, %lt3A_61 : i1
      %and3A_63 = arith.andi %ne3A_62, %ne3A_57 : i1
      %add3A_64 = arith.addi %rem3A_55, %select_n3A_54 : i32
      %select_n3A_65 = arith.select %and3A_63, %add3A_64, %rem3A_55 : i32
      %eq3A_66 = arith.constant 1 : i32
      %eq3A_67 = arith.cmpi eq, %select_n3A_65, %eq3A_66 : i32
      %convert_element_type3A_68 = arith.extui %eq3A_67 : i1 to i32
      %cond3A_69 = arith.constant 0 : i32
      %cond3A_70 = arith.cmpi ne, %convert_element_type3A_68, %cond3A_69 : i32
      scf.if %cond3A_70 {
        %mul3A_71 = arith.constant 32 : i32
        %mul3A_72 = arith.muli %while3A_34, %mul3A_71 : i32
        %add3A_73 = arith.addi %add3A, %mul3A_72 : i32
        %mul3A_74 = arith.constant 640 : i32
        %mul3A_75 = arith.muli %add3A_73, %mul3A_74 : i32
        %ge3A = arith.constant 2 : i32
        %ge3A_76 = arith.cmpi sge, %while3A_34, %ge3A : i32
        %convert_element_type3A_77 = arith.extui %ge3A_76 : i1 to i32
        %cond3A_78 = arith.constant 0 : i32
        %cond3A_79 = arith.cmpi ne, %convert_element_type3A_77, %cond3A_78 : i32
        scf.if %cond3A_79 {
          %dma_wait3A_98 = arith.constant 0 : i32
          %dma_wait3A_99 = tpu.memref_slice %arg3[%dma_wait3A_98, %mul3A_75] : memref<64x500000xf32, #tpu.memory_space<hbm>> -> memref<64x640xf32, #tpu.memory_space<hbm>>
          %dma_wait3A_100 = arith.constant 0 : i32
          %dma_wait3A_101 = tpu.memref_slice %arg3[%dma_wait3A_100, %mul3A_75] : memref<64x500000xf32, #tpu.memory_space<hbm>> -> memref<64x640xf32, #tpu.memory_space<hbm>>
          tpu.wait_dma2 semaphore(%arg11 : memref<!tpu.dma_semaphore, #tpu.memory_space<semaphore_mem>>) src(%arg9 : memref<64x640xf32, #tpu.memory_space<vmem>>) dst(%dma_wait3A_101 : memref<64x640xf32, #tpu.memory_space<hbm>>)
          %scan3A_102 = arith.constant 0 : i32
          %scan3A_103 = arith.constant 0 : i32
          %scan3A_104 = arith.constant 40 : i32
          %scan3A_105 = arith.addi %scan3A_103, %scan3A_104 : i32
          %scan3A_106 = arith.constant 1 : i32
          scf.for %scan3A_108 = %scan3A_103 to %scan3A_105 step %scan3A_106  : i32 {
            %mul3A_109 = arith.constant 16 : i32
            %mul3A_110 = arith.muli %scan3A_108, %mul3A_109 : i32
            %get3A = arith.index_cast %mul3A_110 : i32 to index
            %get3A_111 = tpu.vector_load %arg7[%get3A] {strides = array<i32>} : memref<640xi32, #tpu.memory_space<vmem>>, vector<16xi32>,
            %mul3A_112 = arith.constant 16 : i32
            %mul3A_113 = arith.muli %scan3A_108, %mul3A_112 : i32
            %add3A_114 = vector.broadcast %mul3A_113 : i32 to vector<16xi32>
            %add3A_115 = arith.addi %add3A_114, %iota3A : vector<16xi32>
            tpu.vector_store_idx %arg9[%get3A_111, %add3A_115], %broadcast_in_dim3A_1 : memref<64x640xf32, #tpu.memory_space<vmem>>[vector<16xi32>, vector<16xi32>], vector<16xf32>,
          }
          %scan3A_107 = arith.constant 40 : i32
        } else {
        }
        %dma_wait3A_80 = tpu.memref_slice %arg2[%mul3A_75] : memref<500000xi32, #tpu.memory_space<hbm>> -> memref<640xi32, #tpu.memory_space<hbm>>
        %dma_wait3A_81 = tpu.memref_slice %arg2[%mul3A_75] : memref<500000xi32, #tpu.memory_space<hbm>> -> memref<640xi32, #tpu.memory_space<hbm>>
        tpu.wait_dma2 semaphore(%arg13 : memref<!tpu.dma_semaphore, #tpu.memory_space<semaphore_mem>>) src(%dma_wait3A_81 : memref<640xi32, #tpu.memory_space<hbm>>) dst(%arg5 : memref<640xi32, #tpu.memory_space<vmem>>)
        %add3A_82 = arith.constant 1 : i32
        %add3A_83 = arith.addi %while3A_34, %add3A_82 : i32
        %lt3A_84 = arith.cmpi slt, %add3A_83, %select_n3A : i32
        %convert_element_type3A_85 = arith.extui %lt3A_84 : i1 to i32
        %cond3A_86 = arith.constant 0 : i32
        %cond3A_87 = arith.cmpi ne, %convert_element_type3A_85, %cond3A_86 : i32
        scf.if %cond3A_87 {
          %add3A_98 = arith.constant 20480 : i32
          %add3A_99 = arith.addi %mul3A_75, %add3A_98 : i32
          %dma_start3A_100 = tpu.memref_slice %arg2[%add3A_99] : memref<500000xi32, #tpu.memory_space<hbm>> -> memref<640xi32, #tpu.memory_space<hbm>>
          %dma_start3A_101 = tpu.memref_slice %arg2[%add3A_99] : memref<500000xi32, #tpu.memory_space<hbm>> -> memref<640xi32, #tpu.memory_space<hbm>>
          tpu.enqueue_dma source(%dma_start3A_101 : memref<640xi32, #tpu.memory_space<hbm>>) target(%arg4 : memref<640xi32, #tpu.memory_space<vmem>>) target_semaphore(%arg12 : memref<!tpu.dma_semaphore, #tpu.memory_space<semaphore_mem>>)
        } else {
        }
        %scan3A_88 = arith.constant 0 : i32
        %scan3A_89 = arith.constant 0 : i32
        %scan3A_90 = arith.constant 40 : i32
        %scan3A_91 = arith.addi %scan3A_89, %scan3A_90 : i32
        %scan3A_92 = arith.constant 1 : i32
        scf.for %scan3A_98 = %scan3A_89 to %scan3A_91 step %scan3A_92  : i32 {
          %mul3A_99 = arith.constant 16 : i32
          %mul3A_100 = arith.muli %scan3A_98, %mul3A_99 : i32
          %get3A = arith.index_cast %mul3A_100 : i32 to index
          %get3A_101 = tpu.vector_load %arg5[%get3A] {strides = array<i32>} : memref<640xi32, #tpu.memory_space<vmem>>, vector<16xi32>,
          %mul3A_102 = arith.constant 16 : i32
          %mul3A_103 = arith.muli %scan3A_98, %mul3A_102 : i32
          %swap3A = arith.index_cast %mul3A_103 : i32 to index
          %swap3A_104 = tpu.vector_load %arg7[%swap3A] {strides = array<i32>} : memref<640xi32, #tpu.memory_space<vmem>>, vector<16xi32>,
          tpu.vector_store %arg7[%swap3A], %get3A_101 {strides = array<i32>} : memref<640xi32, #tpu.memory_space<vmem>>, vector<16xi32>,
          %mul3A_105 = arith.constant 16 : i32
          %mul3A_106 = arith.muli %scan3A_98, %mul3A_105 : i32
          %add3A_107 = vector.broadcast %mul3A_106 : i32 to vector<16xi32>
          %add3A_108 = arith.addi %add3A_107, %iota3A : vector<16xi32>
          tpu.vector_store_idx %arg9[%get3A_101, %add3A_108], %broadcast_in_dim3A_3 : memref<64x640xf32, #tpu.memory_space<vmem>>[vector<16xi32>, vector<16xi32>], vector<16xf32>,
        }
        %scan3A_93 = arith.constant 40 : i32
        %dma_start3A_94 = arith.constant 0 : i32
        %dma_start3A_95 = tpu.memref_slice %arg3[%dma_start3A_94, %mul3A_75] : memref<64x500000xf32, #tpu.memory_space<hbm>> -> memref<64x640xf32, #tpu.memory_space<hbm>>
        %dma_start3A_96 = arith.constant 0 : i32
        %dma_start3A_97 = tpu.memref_slice %arg3[%dma_start3A_96, %mul3A_75] : memref<64x500000xf32, #tpu.memory_space<hbm>> -> memref<64x640xf32, #tpu.memory_space<hbm>>
        tpu.enqueue_dma source(%arg9 : memref<64x640xf32, #tpu.memory_space<vmem>>) target(%dma_start3A_97 : memref<64x640xf32, #tpu.memory_space<hbm>>) target_semaphore(%arg11 : memref<!tpu.dma_semaphore, #tpu.memory_space<semaphore_mem>>)
      } else {
      }
    }
    %mul3A_23 = arith.constant 640 : i32
    %mul3A_24 = arith.muli %add3A, %mul3A_23 : i32
    %dma_wait3A = arith.constant 0 : i32
    %dma_wait3A_25 = tpu.memref_slice %arg3[%dma_wait3A, %mul3A_24] : memref<64x500000xf32, #tpu.memory_space<hbm>> -> memref<64x640xf32, #tpu.memory_space<hbm>>
    %dma_wait3A_26 = arith.constant 0 : i32
    %dma_wait3A_27 = tpu.memref_slice %arg3[%dma_wait3A_26, %mul3A_24] : memref<64x500000xf32, #tpu.memory_space<hbm>> -> memref<64x640xf32, #tpu.memory_space<hbm>>
    tpu.wait_dma2 semaphore(%arg10 : memref<!tpu.dma_semaphore, #tpu.memory_space<semaphore_mem>>) src(%arg8 : memref<64x640xf32, #tpu.memory_space<vmem>>) dst(%dma_wait3A_27 : memref<64x640xf32, #tpu.memory_space<hbm>>)
    %mul3A_28 = arith.constant 640 : i32
    %mul3A_29 = arith.muli %add3A, %mul3A_28 : i32
    %dma_wait3A_30 = arith.constant 0 : i32
    %dma_wait3A_31 = tpu.memref_slice %arg3[%dma_wait3A_30, %mul3A_29] : memref<64x500000xf32, #tpu.memory_space<hbm>> -> memref<64x640xf32, #tpu.memory_space<hbm>>
    %dma_wait3A_32 = arith.constant 0 : i32
    %dma_wait3A_33 = tpu.memref_slice %arg3[%dma_wait3A_32, %mul3A_29] : memref<64x500000xf32, #tpu.memory_space<hbm>> -> memref<64x640xf32, #tpu.memory_space<hbm>>
    tpu.wait_dma2 semaphore(%arg11 : memref<!tpu.dma_semaphore, #tpu.memory_space<semaphore_mem>>) src(%arg9 : memref<64x640xf32, #tpu.memory_space<vmem>>) dst(%dma_wait3A_33 : memref<64x640xf32, #tpu.memory_space<hbm>>)
    return
  }
}

</mosaic_0001>

<sc_bundles>
// kernel: kernel.3.cloned.1.call-start
scs
__scs_entry_jumppad:
0x0: {  	(pc) =	sbr.rel $0x88, $3  }
0x1: {  	(tag) =	ssettag $0x0;
	lr =	simm.s32 $0x1  }
0x2: {  	[smem:$0x3FA0] =	sst lr;
	_ =	strace $0xD0000000  }
0x3: {  	_ = 	snop  }
0x4: {  	_ = 	snop  }
0x5: {  	_ = 	snop  }
0x6: {  	_ = 	snop  }
0x7: {  	_ = 	snop  }
__scs_overlays_trampoline_lowered:
0x8: {  	[smem:$0x3FAF] =	sst s0  }
0x9: {  	[smem:$0x3FB0] =	sst s1  }
0xa: {  	[smem:$0x3FB1] =	sst s2  }
0xb: {  	[smem:$0x3FB2] =	sst s3  }
0xc: {  	[smem:$0x3FB3] =	sst s4  }
0xd: {  	[smem:$0x3FB4] =	sst s5  }
0xe: {  	[smem:$0x3FB5] =	sst s6  }
0xf: {  	[smem:$0x3FB6] =	sst s7  }
0x10: {  	[smem:$0x3FB7] =	sst s8  }
0x11: {  	[smem:$0x3FB8] =	sst s9;
	s0 =	simm.s32 @!p0 $0x0  }
0x12: {  	s1 =	sld [smem:$0x3F9E];
	s0 =	simm.s32 @p0 $0x1  }
0x13: {  	[smem:$0x3FB9] =	sst s0;
	s0 =	simm.s32 @!p1 $0x0  }
0x14: {  	s2 =	sld [smem:$0x3F9D];
	s0 =	simm.s32 @p1 $0x1  }
0x15: {  	[smem:$0x3FBA] =	sst s0;
	s0 =	simm.s32 @!p2 $0x0  }
0x16: {  	s3 =	sld [smem:$0x3FDB];
	s0 =	simm.s32 @p2 $0x1  }
0x17: {  	s4 =	simm.s32 $0x1BF5;
	[smem:$0x3FBC] =	sst s0  }
0x18: {  	s0 =	sld [smem:$0x3F9F];
	_ =	swait.ge [sflag:s4], $0x0  }
0x19: {  	s7 =	sld [smem:$0x3FA0]  }
0x1a: {  	s8 =	sadd.s32 $0xFFFFE003, lr  }
0x1b: {  	s9 =	sadd.s32 $0xFFFFFEF7, lr;
	s5 =	simm.s32 $0xFFFFFFFF;
	p2 =	slt.u32 s8, $0xFFFFF086  }
0x1c: {  	p1 =	slt.u32 s9, $0xF7A;
	s5 =	simm.s32 @!p2 $0x0  }
0x1d: {  	s5 =	simm.s32 @p1 $0x1;
	p0 =	seq.s32 s7, s2  }
0x1e: {  	s7 =	smul.u32 @!p0 $0xF7A, s2;
	p2 =	seq.s32 @!p0 s5, $0x0  }
0x1f: {  	s9 =	smul.u32 $0xF7A, s1;
	s8 =	simm.s32 @!p0 $0x1BF5;
	p2 =	por !p2, p0  }
0x20: {  	[sflag:s8] =	ssyncset.s32 @!p0 $0xFFFFF086;
	s6 =	sadd.s32 @!p0 s3, s7;
	s7 =	simm.s32 @!p0 $0x108  }
0x21: {  	s3 =	sadd.s32 s3, s9;
	s6 =	sadd.s32 @!p0 $0x88, s6;
	s7 =	simm.s32 @p2 $0x1082  }
0x22: {  	[simem:s7], [sflag:s8] =	dma.local @!p0 [hbm:s6], $0xF7A  }
0x23: {  	s9 =	sor.u32 $0xD0000000, s2;
	s6 =	simm.s32 $0x108;
	_ =	swait.ge @!p0 [sflag:s8], $0x0  }
0x24: {  	s3 =	sadd.s32 $0x88, s3;
	s6 =	simm.s32 @!p1 $0x1082;
	[sflag:s4] =	ssyncset.s32 $0xFFFFF086  }
0x25: {  	[simem:s6], [sflag:s4] =	dma.local [hbm:s3], $0xF7A  }
0x26: {  	[smem:$0x3FA0] =	sst s1;
	(tag) =	ssettag s2;
	_ =	strace s9  }
0x27: {  	s1 =	sld [smem:$0x3FB0]  }
0x28: {  	s2 =	sld [smem:$0x3FB1]  }
0x29: {  	s4 =	sld [smem:$0x3FB3]  }
0x2a: {  	p0 =	seq.s32 s5, $0x0;
	s5 =	sld [smem:$0x3FB4]  }
0x2b: {  	s6 =	sld [smem:$0x3FB5]  }
0x2c: {  	s7 =	sld [smem:$0x3FB6]  }
0x2d: {  	s3 =	simm.s32 $0x108;
	s8 =	sld [smem:$0x3FB7]  }
0x2e: {  	s3 =	simm.s32 @!p0 $0x1082;
	s9 =	sld [smem:$0x3FB8]  }
0x2f: {  	lr =	sadd.s32 s0, s3;
	s0 =	sld [smem:$0x3FAF]  }
0x30: {  	s3 =	sld [smem:$0x3FB2]  }
0x31: {  	[smem:$0x3FBB] =	sst s10  }
0x32: {  	s10 =	sld [smem:$0x3FB9];
	_ =	sdelay $0x3  }
0x33: {  	p0 =	seq.s32 s10, $0x1;
	s10 =	sld [smem:$0x3FBB];
	_ =	sdelay $0x3  }
0x34: {  	[smem:$0x3FBB] =	sst s10  }
0x35: {  	s10 =	sld [smem:$0x3FBA];
	_ =	sdelay $0x3  }
0x36: {  	p1 =	seq.s32 s10, $0x1;
	s10 =	sld [smem:$0x3FBB];
	_ =	sdelay $0x3  }
0x37: {  	[smem:$0x3FBB] =	sst s10  }
0x38: {  	s10 =	sld [smem:$0x3FBC]  }
0x39: {  	_ = 	snop;
	(pc) =	sbr.ind lr, $3  }
0x3a: {  	_ = 	snop  }
0x3b: {  	_ = 	snop  }
0x3c: {  	p2 =	seq.s32 s10, $0x1;
	s10 =	sld [smem:$0x3FBB]  }
0x3d: {  	_ =	shalt  }
0x3e: {  	_ =	shalt  }
0x3f: {  	_ =	shalt  }
0x40: {  	_ =	shalt  }
0x41: {  	_ =	shalt  }
0x42: {  	_ =	shalt  }
0x43: {  	_ =	shalt  }
0x44: {  	_ =	shalt  }
0x45: {  	_ =	shalt  }
0x46: {  	_ =	shalt  }
0x47: {  	_ =	shalt  }
0x48: {  	_ =	shalt  }
0x49: {  	_ =	shalt  }
0x4a: {  	_ =	shalt  }
0x4b: {  	_ =	shalt  }
0x4c: {  	_ =	shalt  }
0x4d: {  	_ =	shalt  }
0x4e: {  	_ =	shalt  }
0x4f: {  	_ =	shalt  }
0x50: {  	_ =	shalt  }
0x51: {  	_ =	shalt  }
0x52: {  	_ =	shalt  }
0x53: {  	_ =	shalt  }
0x54: {  	_ =	shalt  }
0x55: {  	_ =	shalt  }
0x56: {  	_ =	shalt  }
0x57: {  	_ =	shalt  }
0x58: {  	_ =	shalt  }
0x59: {  	_ =	shalt  }
0x5a: {  	_ =	shalt  }
0x5b: {  	_ =	shalt  }
0x5c: {  	_ =	shalt  }
0x5d: {  	_ =	shalt  }
0x5e: {  	_ =	shalt  }
0x5f: {  	_ =	shalt  }
0x60: {  	_ =	shalt  }
0x61: {  	_ =	shalt  }
0x62: {  	_ =	shalt  }
0x63: {  	_ =	shalt  }
0x64: {  	_ =	shalt  }
0x65: {  	_ =	shalt  }
0x66: {  	_ =	shalt  }
0x67: {  	_ =	shalt  }
0x68: {  	_ =	shalt  }
0x69: {  	_ =	shalt  }
0x6a: {  	_ =	shalt  }
0x6b: {  	_ =	shalt  }
0x6c: {  	_ =	shalt  }
0x6d: {  	_ =	shalt  }
0x6e: {  	_ =	shalt  }
0x6f: {  	_ =	shalt  }
0x70: {  	_ =	shalt  }
0x71: {  	_ =	shalt  }
0x72: {  	_ =	shalt  }
0x73: {  	_ =	shalt  }
0x74: {  	_ =	shalt  }
0x75: {  	_ =	shalt  }
0x76: {  	_ =	shalt  }
0x77: {  	_ =	shalt  }
0x78: {  	_ =	shalt  }
0x79: {  	_ =	shalt  }
0x7a: {  	_ =	shalt  }
0x7b: {  	_ =	shalt  }
0x7c: {  	_ =	shalt  }
0x7d: {  	_ =	shalt  }
0x7e: {  	_ =	shalt  }
0x7f: {  	_ =	shalt  }
0x80: {  	_ =	shalt  }
0x81: {  	_ =	shalt  }
0x82: {  	_ =	shalt  }
0x83: {  	_ =	shalt  }
0x84: {  	_ =	shalt  }
0x85: {  	_ =	shalt  }
0x86: {  	_ =	shalt  }
0x87: {  	_ =	shalt  }
.Lfunc_end0:
.L_simem_size_0:
called_computation_lowered:
.L_overlay_start_0:
0x88: {  	s2 =	sld [smem:$0x3FD9]  }
0x89: {  	s3 =	sld [smem:$0x3FFE];
	_ =	sdelay $0x1  }
0x8a: {  	s1 =	srdreg.scid  }
0x8b: {  	s0 =	sand.u32 $0x1, s1  }
0x8c: {  	s18 =	sshll.u32 s0, $0xA;
	s2 =	sadd.s32 s3, s2  }
0x8d: {  	s2 =	sadd.s32 s2, s18  }
0x8e: {  	[smem:$0x3FC7] =	sst s2  }
0x8f: {  	_ = 	snop  }
0x90: {  	s2 =	sld [smem:$0x3FC9]  }
0x91: {  	s19 =	sld [smem:$0x3FD0];
	(tm) =	ssettm $0x1  }
0x92: {  	s4 =	sld [smem:$0x3FFB];
	_ =	sdelay $0x3  }
0x93: {  	_ =	strace s4  }
0x94: {  	s4 =	sld [smem:$0x3FFC];
	_ =	sdelay $0x3  }
0x95: {  	_ =	strace s4  }
0x96: {  	s4 =	sld [smem:$0x3FFD];
	_ =	sdelay $0x3  }
0x97: {  	_ =	strace s4  }
0x98: {  	_ =	strace $0x8FFFFFFF  }
0x99: {  	s20 =	sld [smem:$0x3FDB];
	_ =	sdelay $0x1  }
0x9a: {  	s5 =	simm.s32 $_scs_section_size  }
0x9b: {  	s6 =	simm.s32 $_size__tile_overlayer_lowered;
	s7 =	simm.s32 $_tile_overlayer_lowered  }
0x9c: {  	s23 =	simm.s32 $0x1BFF;
	s22 =	sshll.u32 s7, $0x1;
	s4 =	sadd.s32 s5, s20  }
0x9d: {  	s8 =	simm.s32 $0x0;
	s21 =	sshll.u32 s6, $0x1;
	s6 =	sadd.s32 s22, s4  }
0x9e: {  	[timem:s8], [sflag:s23] =	dma.local [hbm:s6], s21  }
0x9f: {  	_ =	swait.ge [sflag:s23], s21  }
0xa0: {  	s5 =	ssub.s32 $0x0, s21;
	[sflag:s23] =	ssyncset.done $0x0  }
0xa1: {  	[sflag:s23] =	ssyncadd.s32 s5;
	_ =	sdelay $0x1  }
0xa2: {  	s24 =	simm.s32 $0x1B8B  }
0xa3: {  	_ =	swait.ge [sflag:s24], $0x1  }
0xa4: {  	[sflag:s24] =	ssyncset.done $0x0  }
0xa5: {  	s25 =	simm.s32 $0x1B8E;
	[sflag:s24] =	ssyncadd.s32 $0xFFFFFFFF  }
0xa6: {  	s26 =	simm.s32 $execute0_lowered;
	[smem:$0x3FD2] =	sst s25  }
0xa7: {  	s5 =	sshll.u32 s26, $0x1;
	_ =	strace $0x80000046;
	[dreg:$0x1] =	wrdreg $0xFFFFFFFF  }
0xa8: {  	s28 =	simm.s32 $_size_execute0_lowered;
	s4 =	sadd.s32 s4, s5;
	[dreg:$0x0] =	wrdreg $0x0  }
0xa9: {  	s5 =	sshll.u32 s28, $0x1;
	[dreg:$0x2] =	wrdreg s4  }
0xaa: {  	[dreg:$0x3] =	wrdreg s5  }
0xab: {  	[dreg:$0x4] =	wrdreg $0xC0  }
0xac: {  	_ =	task [dreg:s8], $0x5FFFF  }
0xad: {  	[dreg:$0x1] =	wrdreg $0xFFFFFFFF  }
0xae: {  	[dreg:$0x0] =	wrdreg $0x60  }
0xaf: {  	[dreg:$0x2] =	wrdreg s2  }
0xb0: {  	[dreg:$0x3] =	wrdreg s19  }
0xb1: {  	[dreg:$0x4] =	wrdreg $0x9  }
0xb2: {  	_ =	task.clear_ibuf [dreg:s8], $0x5FFFF;
	_ =	strace $0x90000046  }
0xb3: {  	s29 =	simm.s32 $0x9;
	_ =	strace $0x80000048  }
0xb4: {  	_ =	swait.ge [sflag:s29], $0x1  }
0xb5: {  	[sflag:s29] =	ssyncadd.s32 $0xFFFFFFFF  }
0xb6: {  	_ =	strace $0x90000048  }
0xb7: {  	_ =	sfence  }
0xb8: {  	s30 =	sld [smem:$0x0];
	_ =	sdelay $0x2  }
0xb9: {  	s31 =	sshll.u32 s1, $0xD;
	s1 =	sshrl.u32 s1, $0x2  }
0xba: {  	s3 =	sand.u32 $0x4000, s31;
	s1 =	sadd.s32 s1, s30  }
0xbb: {  	s0 =	sor.u32 s3, s0;
	s1 =	sshll.u32 s1, $0x11  }
0xbc: {  	s0 =	sor.u32 s1, s0  }
0xbd: {  	s0 =	sadd.s32 $0x8F2B, s0  }
0xbe: {  	[sflag:s0] =	ssyncadd.remote.s32 $0x1  }
0xbf: {  	_ =	sfence.sel $0xFFFF  }
0xc0: {  	[dreg:$0x0] =	wrdreg $0xFFFFFFFF;
	(pc) =	sbr.abs _section_cstart, $3  }
0xc1: {  	[dreg:$0x1] =	wrdreg $0xFFFFFFFF  }
0xc2: {  	_ =	task.clear_ibuf [dreg:s8], $0x2FFFF;
	_ =	strace $0x9FFFFFFF  }
0xc3: {  	(tm) =	ssettm $0x7FFFFFFF  }
tec
execute0_lowered:
.L_overlay_start_1:
0x0: {  	(tag) =	ssettag $0x1  }
0x1: {  	s2 =	rddreg [dreg:$0x0]  }
0x2: {  	s3 =	rddreg [dreg:$0x1]  }
0x3: {  	s4 =	srdreg.scid;
	s0 =	rddreg [dreg:$0x2]  }
0x4: {  	s1 =	stileid.u32;
	s11 =	simm.s32 $0xAA00;
	s12 =	simm.s32 $0x2  }
0x5: {  	s13 =	simm.s32 $0x4;
	s14 =	simm.s32 $0x1400;
	s15 =	simm.s32 $0x3D0C00  }
0x6: {  	s16 =	simm.s32 $0x1;
	s17 =	simm.s32 $0x3;
	s18 =	simm.s32 $0x0  }
0x7: {  	s5 =	sand.u32 $0x1, s4;
	s4 =	simm.s32 $0x0;
	s6 =	sshll.u32 s1, $0x1  }
.Ltmp0:
0x8: {  	s7 =	ssub.s32 $0x2, s5;
	s5 =	sor.u32 s5, s6;
	(pc) =	sbr.rel .LBB2_1-.Ltmp0, $4  }
0x9: {  	[smem:$0x7FF] =	sst s4;
	s6 =	simm.s32 $0x19;
	s9 =	smul.u32 $0x50, s5  }
0xa: {  	s8 =	sshrl.u32 s7, $0x1;
	p0 =	slt.u32 s5, $0xD;
	_ =	strace $0x80000047  }
0xb: {  	s10 =	ssub.s32 s7, s8;
	s6 =	simm.s32 @!p0 $0x18;
	s7 =	sadd.s32 s2, s9  }
0xc: {  	v0 =	vlaneseq.u32;
	v1 =	vimm.f32 $0.0e+00;
	v2 =	vimm.f32 $1.000000000e+00;
	s8 =	sadd.s32 $0xFFFFFFFF, s6;
	s9 =	smax.u32 s10, $0x1;
	s10 =	simm.s32 $0xA00  }
.LBB2_20:
0xd: {  	s18 =	sadd.s32 $0x1, s18  }
0xe: {  	_ =	swait.ge [sflag:s16], $0xA000;
	p0 =	sne.s32 s18, s9  }
.Ltmp1:
0xf: {  	[sflag:s16] =	ssyncset.done $0x0;
	(pc) =	sbr.rel @!p0 .LBB2_21-.Ltmp1, $4  }
0x10: {  	[sflag:s16] =	ssyncadd.s32 $0xFFFF6000  }
0x11: {  	_ =	swait.ge [sflag:s12], $0xA000  }
0x12: {  	[sflag:s12] =	ssyncset.done $0x0  }
0x13: {  	[sflag:s12] =	ssyncadd.s32 $0xFFFF6000  }
.LBB2_1:
0x14: {  	s19 =	smul.u32 $0xCCCD, s4;
	_ =	sdelay $0x1  }
0x15: {  	s19 =	sshrl.u32 s19, $0x15  }
0x16: {  	s21 =	smul.u32 $0x28, s19  }
0x17: {  	s20 =	simm.s32 $0x1  }
0x18: {  	s20 =	smul.u32 $0xCCCD, s20;
	s21 =	ssub.s32 $0x0, s21  }
0x19: {  	s21 =	sshll.u32 s21, $0x4  }
0x1a: {  	s20 =	sshrl.u32 s20, $0x15;
	v3 =	vmov s19;
	s26 =	sand.u32 $0xFFF0, s21  }
0x1b: {  	s28 =	smul.u32 $0x28, s20;
	v5 =	vshrl.u32 v3, $0x3;
	v4 =	vmov s26  }
0x1c: {  	v5 =	vmul.u32 $0x1400, v5;
	v4 =	vshll.u32 v4, $0x3  }
0x1d: {  	s22 =	simm.s32 $0x2;
	v3 =	vshll.u32 v3, $0x7;
	s21 =	ssub.s32 $0x1, s28;
	v4 =	vand.u32 $0x1C00, v4  }
0x1e: {  	s29 =	smul.u32 $0xCCCD, s22;
	v3 =	vand.u32 $0x380, v3;
	v6 =	vor.u32 s26, v0;
	s21 =	sshll.u32 s21, $0x4;
	v4 =	vadd.s32 v5, v4  }
0x1f: {  	s30 =	sand.u32 $0xFFF0, s21;
	v6 =	vand.u32 $0x7F, v6;
	v5 =	vmov s20;
	v3 =	vor.u32 v3, v4  }
0x20: {  	s19 =	sshrl.u32 s29, $0x15;
	v4 =	vmov s30;
	v7 =	vshrl.u32 v5, $0x3;
	v3 =	vor.u32 v6, v3  }
0x21: {  	s31 =	smul.u32 $0x28, s19;
	v7 =	vmul.u32 $0x1400, v7;
	v4 =	vshll.u32 v4, $0x3  }
0x22: {  	[tilespmem:s4], [sflag:$0x3] =	stream.linear.gather [hbm4b:s7+s4], $0x280, $0x38;
	v8 =	vshll.u32 v5, $0x7;
	v6 =	vand.u32 $0x1C00, v4;
	[tilespmem:$0x14A00] =	vst v63  }
0x23: {  	s21 =	ssub.s32 $0x2, s31;
	s20 =	simm.s32 $0x3;
	v4 =	vor.u32 s30, v0;
	v5 =	vadd.s32 v7, v6;
	v6 =	vand.u32 $0x380, v8  }
.LBB2_2:
0x24: {  	s22 =	smul.u32 $0xCCCD, s20  }
0x25: {  	s21 =	sshll.u32 s21, $0x4;
	v4 =	vand.u32 $0x7F, v4;
	v5 =	vor.u32 v6, v5;
	[tilespmem:v3+s10+$0x0] =	vst.idx.msk $0xffff, v1;
	s23 =	smov.u32 s20;
	p0 =	sne.s32 s20, $0x9FF  }
.Ltmp2:
0x26: {  	s20 =	sadd.s32 $0x1, s20;
	v6 =	vmov s19;
	s24 =	sand.u32 $0xFFF0, s21;
	[tilespmem:v3+s11+$0x0] =	vst.idx.msk $0xffff, v1;
	v3 =	vor.u32 v4, v5;
	(pc) =	sbr.rel @p0 .LBB2_2-.Ltmp2, $4  }
0x27: {  	v5 =	vshrl.u32 v6, $0x3;
	s19 =	sshrl.u32 s22, $0x15;
	v4 =	vmov s24  }
0x28: {  	v5 =	vmul.u32 $0x1400, v5;
	s21 =	smul.u32 $0x28, s19;
	v4 =	vshll.u32 v4, $0x3  }
0x29: {  	v6 =	vshll.u32 v6, $0x7;
	v7 =	vand.u32 $0x1C00, v4  }
0x2a: {  	v6 =	vand.u32 $0x380, v6;
	v4 =	vor.u32 s24, v0;
	s21 =	ssub.s32 s23, s21;
	v5 =	vadd.s32 v5, v7  }
0x2b: {  	s20 =	sshll.u32 s21, $0x4  }
0x2c: {  	v7 =	vmov s19;
	s31 =	sand.u32 $0xFFF0, s20  }
0x2d: {  	v5 =	vor.u32 v6, v5;
	v8 =	vshrl.u32 v7, $0x3;
	v60 =	vmov s31  }
0x2e: {  	v4 =	vand.u32 $0x7F, v4;
	v8 =	vmul.u32 $0x1400, v8;
	v6 =	vshll.u32 v60, $0x3  }
0x2f: {  	v4 =	vor.u32 v4, v5;
	v62 =	vshll.u32 v7, $0x7;
	v61 =	vand.u32 $0x1C00, v6  }
0x30: {  	v63 =	vor.u32 s31, v0;
	v6 =	vand.u32 $0x380, v62;
	v5 =	vadd.s32 v8, v61  }
0x31: {  	v7 =	vand.u32 $0x7F, v63;
	v5 =	vor.u32 v6, v5  }
0x32: {  	v5 =	vor.u32 v7, v5  }
0x33: {  	[tilespmem:v3+s10+$0x0] =	vst.idx.msk $0xffff, v1  }
.Ltmp3:
0x34: {  	[tilespmem:v3+s11+$0x0] =	vst.idx.msk $0xffff, v1;
	(pc) =	sbr.rel .LBB2_4-.Ltmp3, $4  }
0x35: {  	[tilespmem:v4+s10+$0x0] =	vst.idx.msk $0xffff, v1  }
0x36: {  	[tilespmem:v4+s11+$0x0] =	vst.idx.msk $0xffff, v1  }
0x37: {  	[tilespmem:v5+s10+$0x0] =	vst.idx.msk $0xffff, v1  }
0x38: {  	s19 =	simm.s32 $0x0;
	[tilespmem:v5+s11+$0x0] =	vst.idx.msk $0xffff, v1  }
.LBB2_19:
0x39: {  	s19 =	sadd.s32 $0x1, s19  }
0x3a: {  	p0 =	sne.s32 s19, s6  }
.Ltmp4:
0x3b: {  	_ = 	snop;
	(pc) =	sbr.rel @!p0 .LBB2_20-.Ltmp4, $1  }
0x3c: {  	_ =	sdelay $0x3  }
.LBB2_4:
0x3d: {  	s22 =	sand.u32 $0x1, s19  }
0x3e: {  	p0 =	seq.s32 s22, $0x1  }
.Ltmp5:
0x3f: {  	_ = 	snop;
	(pc) =	sbr.rel @p0 .LBB2_12-.Ltmp5, $4  }
0x40: {  	_ = 	snop  }
0x41: {  	s20 =	sshll.u32 s19, $0x5  }
0x42: {  	s20 =	sor.u32 s5, s20  }
0x43: {  	s21 =	smul.u32 $0x280, s20  }
0x44: {  	p0 =	slt.u32 s19, $0x2  }
.Ltmp6:
0x45: {  	_ = 	snop;
	(pc) =	sbr.rel @p0 .LBB2_9-.Ltmp6, $1  }
0x46: {  	_ =	sdelay $0x3  }
0x47: {  	_ =	swait.ge [sflag:s16], $0xA000  }
0x48: {  	[sflag:s16] =	ssyncset.done $0x0  }
0x49: {  	s24 =	simm.s32 $0x500;
	[sflag:s16] =	ssyncadd.s32 $0xFFFF6000  }
0x4a: {  	s23 =	simm.s32 $0x0;
	s25 =	simm.s32 $0x10;
	v3 =	vld [tilespmem:s24+$0x0]  }
.LBB2_7:
0x4b: {  	p0 =	sne.s32 s25, $0x270;
	_ =	sdelay $0x3  }
0x4c: {  	v4 =	vmov s23;
	v5 =	vshrl.u32 v3, $0x3  }
0x4d: {  	v4 =	vshll.u32 v4, $0x3;
	v5 =	vmul.u32 $0x1400, v5  }
0x4e: {  	v4 =	vand.u32 $0x1C00, v4;
	v3 =	vshll.u32 v3, $0x7  }
0x4f: {  	v6 =	vor.u32 s23, v0;
	s23 =	smov.u32 s25;
	v3 =	vand.u32 $0x380, v3;
	v4 =	vadd.s32 v4, v5  }
0x50: {  	v5 =	vand.u32 $0x7F, v6;
	v3 =	vor.u32 v3, v4  }
0x51: {  	v3 =	vor.u32 v5, v3;
	_ =	sdelay $0x1  }
.Ltmp7:
0x52: {  	(pc) =	sbr.rel @p0 .LBB2_7-.Ltmp7, $3  }
0x53: {  	_ =	sdelay $0x1  }
0x54: {  	s24 =	sadd.s32 $0x10, s24;
	[tilespmem:v3+s10+$0x0] =	vst.idx.msk $0xffff, v1  }
0x55: {  	s25 =	sadd.s32 $0x10, s25;
	v3 =	vld [tilespmem:s24+$0x0]  }
0x56: {  	_ =	sdelay $0x3  }
0x57: {  	v4 =	vmov s23;
	v5 =	vshrl.u32 v3, $0x3  }
0x58: {  	v4 =	vshll.u32 v4, $0x3;
	v5 =	vmul.u32 $0x1400, v5  }
0x59: {  	v4 =	vand.u32 $0x1C00, v4;
	v3 =	vshll.u32 v3, $0x7  }
0x5a: {  	v6 =	vor.u32 s23, v0;
	v3 =	vand.u32 $0x380, v3;
	v4 =	vadd.s32 v4, v5  }
0x5b: {  	v63 =	vand.u32 $0x7F, v6;
	v3 =	vor.u32 v3, v4  }
0x5c: {  	v3 =	vor.u32 v63, v3;
	_ =	sdelay $0x4  }
0x5d: {  	[tilespmem:v3+s10+$0x0] =	vst.idx.msk $0xffff, v1  }
.LBB2_9:
0x5e: {  	p0 =	sge.u32 s19, s8  }
0x5f: {  	_ =	swait.ge [sflag:s17], $0x280;
	s31 =	simm.s32 $0x0;
	s23 =	sshrl.u32 @!p0 s21, $0x3  }
0x60: {  	[sflag:s17] =	ssyncset.done $0x0;
	s24 =	simm.s32 @!p0 $0x0;
	s23 =	sadd.s32 @!p0 s2, s23  }
0x61: {  	s25 =	simm.s32 @!p0 $0x280;
	[sflag:s17] =	ssyncadd.s32 $0xFFFFFD80;
	s23 =	sadd.s32 @!p0 $0xA00, s23  }
0x62: {  	[tilespmem:s25], [sflag:$0x4] =	stream.linear.gather @!p0 [hbm4b:s23+s24], $0x280, $0x38;
	[tilespmem:$0x14A00] =	vst v63  }
0x63: {  	v3 =	vld [tilespmem:s31+$0x0];
	_ =	sdelay $0x4  }
0x64: {  	v4 =	vmov s31;
	v5 =	vshrl.u32 v3, $0x3  }
0x65: {  	v4 =	vshll.u32 v4, $0x3;
	v5 =	vmul.u32 $0x1400, v5  }
0x66: {  	v4 =	vand.u32 $0x1C00, v4;
	v6 =	vshll.u32 v3, $0x7  }
0x67: {  	v7 =	vor.u32 s31, v0;
	v4 =	vadd.s32 v4, v5;
	v5 =	vand.u32 $0x380, v6  }
0x68: {  	v63 =	vand.u32 $0x7F, v7;
	v4 =	vor.u32 v5, v4  }
0x69: {  	v4 =	vor.u32 v63, v4;
	_ =	sdelay $0x2  }
0x6a: {  	s23 =	simm.s32 $0x500  }
0x6b: {  	[tilespmem:s23+$0x0] =	vst v3  }
0x6c: {  	s24 =	simm.s32 $0x10;
	[tilespmem:v4+s10+$0x0] =	vst.idx.msk $0xffff, v2  }
0x6d: {  	s26 =	simm.s32 $0x10;
	s25 =	simm.s32 $0x20;
	v3 =	vld [tilespmem:s24+$0x0]  }
.LBB2_10:
0x6e: {  	p0 =	sne.s32 s25, $0x270;
	_ =	sdelay $0x3  }
0x6f: {  	v4 =	vmov s24;
	v5 =	vshrl.u32 v3, $0x3  }
0x70: {  	v4 =	vshll.u32 v4, $0x3;
	v5 =	vmul.u32 $0x1400, v5  }
0x71: {  	v4 =	vand.u32 $0x1C00, v4;
	v6 =	vshll.u32 v3, $0x7  }
0x72: {  	v7 =	vor.u32 s24, v0;
	s24 =	smov.u32 s25;
	v4 =	vadd.s32 v4, v5;
	v5 =	vand.u32 $0x380, v6  }
0x73: {  	v6 =	vand.u32 $0x7F, v7;
	v4 =	vor.u32 v5, v4  }
0x74: {  	v4 =	vor.u32 v6, v4;
	_ =	sdelay $0x1  }
.Ltmp8:
0x75: {  	(pc) =	sbr.rel @p0 .LBB2_10-.Ltmp8, $4  }
0x76: {  	s23 =	sadd.s32 $0x10, s23  }
0x77: {  	[tilespmem:s23+$0x0] =	vst v3  }
0x78: {  	s26 =	sadd.s32 $0x10, s26;
	[tilespmem:v4+s10+$0x0] =	vst.idx.msk $0xffff, v2  }
0x79: {  	s25 =	sadd.s32 $0x10, s25;
	v3 =	vld [tilespmem:s26+$0x0]  }
0x7a: {  	_ =	sdelay $0x3  }
0x7b: {  	v4 =	vmov s24;
	v5 =	vshrl.u32 v3, $0x3  }
0x7c: {  	v4 =	vshll.u32 v4, $0x3;
	v5 =	vmul.u32 $0x1400, v5  }
0x7d: {  	v4 =	vand.u32 $0x1C00, v4;
	v6 =	vshll.u32 v3, $0x7  }
0x7e: {  	v7 =	vor.u32 s24, v0;
	v62 =	vand.u32 $0x380, v6;
	v4 =	vadd.s32 v4, v5  }
0x7f: {  	v63 =	vand.u32 $0x7F, v7;
	v4 =	vor.u32 v62, v4  }
0x80: {  	v4 =	vor.u32 v63, v4  }
0x81: {  	s30 =	smul.u32 $0x1400, s20;
	p0 =	seq.s32 s22, $0x0  }
.Ltmp9:
0x82: {  	_ = 	snop;
	(pc) =	sbr.rel @p0 .LBB2_19-.Ltmp9, $4  }
0x83: {  	s23 =	sadd.s32 $0x10, s23  }
0x84: {  	s31 =	sshrl.u32 s30, $0x3;
	[tilespmem:s23+$0x0] =	vst v3  }
0x85: {  	s23 =	sadd.s32 s3, s31;
	[tilespmem:v4+s10+$0x0] =	vst.idx.msk $0xffff, v2  }
0x86: {  	[hbm4b:s23+s14] =	stream.strided.scatter [tilespmem:s10], [sflag:$0x1], $0xA000, s15, s14, $0x38;
	[tilespmem:$0x14A00] =	vst v63  }
.LBB2_12:
0x87: {  	p0 =	slt.u32 s19, $0x2  }
.Ltmp10:
0x88: {  	_ = 	snop;
	(pc) =	sbr.rel @p0 .LBB2_16-.Ltmp10, $1  }
0x89: {  	_ =	sdelay $0x3  }
0x8a: {  	_ =	swait.ge [sflag:s12], $0xA000  }
0x8b: {  	[sflag:s12] =	ssyncset.done $0x0  }
0x8c: {  	s23 =	simm.s32 $0x780;
	[sflag:s12] =	ssyncadd.s32 $0xFFFF6000  }
0x8d: {  	s22 =	simm.s32 $0x0;
	s24 =	simm.s32 $0x10;
	v3 =	vld [tilespmem:s23+$0x0]  }
.LBB2_14:
0x8e: {  	p0 =	sne.s32 s24, $0x270;
	_ =	sdelay $0x3  }
0x8f: {  	v4 =	vmov s22;
	v5 =	vshrl.u32 v3, $0x3  }
0x90: {  	v4 =	vshll.u32 v4, $0x3;
	v5 =	vmul.u32 $0x1400, v5  }
0x91: {  	v4 =	vand.u32 $0x1C00, v4;
	v3 =	vshll.u32 v3, $0x7  }
0x92: {  	v6 =	vor.u32 s22, v0;
	s22 =	smov.u32 s24;
	v3 =	vand.u32 $0x380, v3;
	v4 =	vadd.s32 v4, v5  }
0x93: {  	v5 =	vand.u32 $0x7F, v6;
	v3 =	vor.u32 v3, v4  }
0x94: {  	v3 =	vor.u32 v5, v3;
	_ =	sdelay $0x1  }
.Ltmp11:
0x95: {  	(pc) =	sbr.rel @p0 .LBB2_14-.Ltmp11, $3  }
0x96: {  	_ =	sdelay $0x1  }
0x97: {  	s23 =	sadd.s32 $0x10, s23;
	[tilespmem:v3+s11+$0x0] =	vst.idx.msk $0xffff, v1  }
0x98: {  	s24 =	sadd.s32 $0x10, s24;
	v3 =	vld [tilespmem:s23+$0x0]  }
0x99: {  	_ =	sdelay $0x3  }
0x9a: {  	v4 =	vmov s22;
	v5 =	vshrl.u32 v3, $0x3  }
0x9b: {  	v4 =	vshll.u32 v4, $0x3;
	v5 =	vmul.u32 $0x1400, v5  }
0x9c: {  	v4 =	vand.u32 $0x1C00, v4;
	v3 =	vshll.u32 v3, $0x7  }
0x9d: {  	v6 =	vor.u32 s22, v0;
	v3 =	vand.u32 $0x380, v3;
	v4 =	vadd.s32 v4, v5  }
0x9e: {  	v63 =	vand.u32 $0x7F, v6;
	v3 =	vor.u32 v3, v4  }
0x9f: {  	v3 =	vor.u32 v63, v3;
	_ =	sdelay $0x4  }
0xa0: {  	[tilespmem:v3+s11+$0x0] =	vst.idx.msk $0xffff, v1  }
.LBB2_16:
0xa1: {  	p0 =	sge.u32 s19, s8  }
0xa2: {  	_ =	swait.ge [sflag:s13], $0x280;
	s21 =	sshrl.u32 @!p0 s21, $0x3  }
0xa3: {  	s30 =	simm.s32 $0x280;
	[sflag:s13] =	ssyncset.done $0x0;
	s21 =	sadd.s32 @!p0 s2, s21  }
0xa4: {  	s22 =	simm.s32 @!p0 $0x0;
	[sflag:s13] =	ssyncadd.s32 $0xFFFFFD80;
	s21 =	sadd.s32 @!p0 $0xA00, s21  }
0xa5: {  	[tilespmem:s22], [sflag:$0x3] =	stream.linear.gather @!p0 [hbm4b:s21+s22], $0x280, $0x38;
	[tilespmem:$0x14A00] =	vst v63  }
0xa6: {  	v3 =	vld [tilespmem:s30+$0x0];
	_ =	sdelay $0x3  }
0xa7: {  	s31 =	simm.s32 $0x0  }
0xa8: {  	v4 =	vmov s31;
	v5 =	vshrl.u32 v3, $0x3  }
0xa9: {  	v4 =	vshll.u32 v4, $0x3;
	v5 =	vmul.u32 $0x1400, v5  }
0xaa: {  	v4 =	vand.u32 $0x1C00, v4;
	v6 =	vshll.u32 v3, $0x7  }
0xab: {  	v7 =	vor.u32 s31, v0;
	v4 =	vadd.s32 v4, v5;
	v5 =	vand.u32 $0x380, v6  }
0xac: {  	v63 =	vand.u32 $0x7F, v7;
	v4 =	vor.u32 v5, v4  }
0xad: {  	v4 =	vor.u32 v63, v4;
	_ =	sdelay $0x2  }
0xae: {  	s21 =	simm.s32 $0x780  }
0xaf: {  	[tilespmem:s21+$0x0] =	vst v3  }
0xb0: {  	s23 =	simm.s32 $0x290;
	[tilespmem:v4+s11+$0x0] =	vst.idx.msk $0xffff, v2  }
0xb1: {  	s24 =	simm.s32 $0x20;
	s22 =	simm.s32 $0x10;
	v3 =	vld [tilespmem:s23+$0x0]  }
.LBB2_17:
0xb2: {  	p0 =	sne.s32 s24, $0x270;
	_ =	sdelay $0x3  }
0xb3: {  	v4 =	vmov s22;
	v5 =	vshrl.u32 v3, $0x3  }
0xb4: {  	v4 =	vshll.u32 v4, $0x3;
	v5 =	vmul.u32 $0x1400, v5  }
0xb5: {  	v4 =	vand.u32 $0x1C00, v4;
	v6 =	vshll.u32 v3, $0x7  }
0xb6: {  	v7 =	vor.u32 s22, v0;
	s22 =	smov.u32 s24;
	v4 =	vadd.s32 v4, v5;
	v5 =	vand.u32 $0x380, v6  }
0xb7: {  	v6 =	vand.u32 $0x7F, v7;
	v4 =	vor.u32 v5, v4  }
0xb8: {  	v4 =	vor.u32 v6, v4;
	_ =	sdelay $0x1  }
.Ltmp12:
0xb9: {  	(pc) =	sbr.rel @p0 .LBB2_17-.Ltmp12, $4  }
0xba: {  	s21 =	sadd.s32 $0x10, s21  }
0xbb: {  	[tilespmem:s21+$0x0] =	vst v3  }
0xbc: {  	s23 =	sadd.s32 $0x10, s23;
	[tilespmem:v4+s11+$0x0] =	vst.idx.msk $0xffff, v2  }
0xbd: {  	s24 =	sadd.s32 $0x10, s24;
	v3 =	vld [tilespmem:s23+$0x0]  }
0xbe: {  	_ =	sdelay $0x3  }
0xbf: {  	v4 =	vmov s22;
	v5 =	vshrl.u32 v3, $0x3  }
0xc0: {  	v4 =	vshll.u32 v4, $0x3;
	v5 =	vmul.u32 $0x1400, v5  }
0xc1: {  	v4 =	vand.u32 $0x1C00, v4;
	v6 =	vshll.u32 v3, $0x7  }
0xc2: {  	v7 =	vor.u32 s22, v0;
	v62 =	vand.u32 $0x380, v6;
	v4 =	vadd.s32 v4, v5  }
0xc3: {  	v63 =	vand.u32 $0x7F, v7;
	v4 =	vor.u32 v62, v4  }
0xc4: {  	v4 =	vor.u32 v63, v4  }
0xc5: {  	s20 =	smul.u32 $0x1400, s20  }
.Ltmp13:
0xc6: {  	_ = 	snop;
	(pc) =	sbr.rel .LBB2_19-.Ltmp13, $4  }
0xc7: {  	s21 =	sadd.s32 $0x10, s21  }
0xc8: {  	s20 =	sshrl.u32 s20, $0x3;
	[tilespmem:s21+$0x0] =	vst v3  }
0xc9: {  	s20 =	sadd.s32 s3, s20;
	[tilespmem:v4+s11+$0x0] =	vst.idx.msk $0xffff, v2  }
0xca: {  	[hbm4b:s20+s14] =	stream.strided.scatter [tilespmem:s11], [sflag:$0x2], $0xA000, s15, s14, $0x38;
	[tilespmem:$0x14A00] =	vst v63  }
.LBB2_21:
0xcb: {  	_ =	sfence.sel $0x180000  }
0xcc: {  	[bflag:$0x0] =	sbarrier.arrive $0xFFFF  }
0xcd: {  	p0 =	sne.s32 s1, $0x0;
	_ =	strace $0x90000047  }
0xce: {  	s0 =	sadd.s32 @!p0 $0x100000, s0;
	[bflag:$0x2] =	sbarrier.arrive $0xFFFF  }
0xcf: {  	[sflag:s0] =	ssyncadd.tile.s32 @!p0 $0x1;
	_ =	shalt  }
.Lfunc_end2:
_tile_overlayer_lowered:
.L_overlay_start_2:
0xd0: {  	(tag) =	ssettag $0x2  }
0xd1: {  	s0 =	rddreg [dreg:$0x0];
	s2 =	stileid.u32  }
0xd2: {  	s1 =	rddreg [dreg:$0x1];
	p0 =	sne.s32 s2, $0x0  }
0xd3: {  	s3 =	rddreg [dreg:$0x2];
	[bflag:$0x3] =	sbarrier.arrive $0xFFFF;
	s2 =	simm.s32 @!p0 $0x1C05  }
0xd4: {  	[timem:s3], [sflag:s2] =	dma.local @!p0 [hbm:s0], s1  }
0xd5: {  	s0 =	simm.s32 @!p0 $0x5  }
0xd6: {  	_ =	swait.ge @!p0 [sflag:s0], s1  }
0xd7: {  	s1 =	ssub.s32 @!p0 $0x0, s1;
	[sflag:s0] =	ssyncset.done @!p0 $0x0  }
0xd8: {  	[sflag:s0] =	ssyncadd.s32 @!p0 s1  }
0xd9: {  	[bflag:$0x3] =	sbarrier.arrive $0xFFFF  }
0xda: {  	_ =	shalt  }

</sc_bundles>
